<compile_context>
chip_gen: v7x
topology: tpu7x:2x2x1
jax: 0.10.2.dev20260603
libtpu: 0.0.44.dev20260713+nightly
codegen_flags: <defaults>
</compile_context>

<pallas_src>
import jax
import jax.numpy as jnp
from jax import lax
from jax.experimental import pallas as pl
from jax.experimental.pallas import tpu as pltpu
from jax.experimental.pallas import tpu_sc as plsc

_NUM_CORES = 2
_NUM_SUBCORES = 16
_NUM_WORKERS = _NUM_CORES * _NUM_SUBCORES
_LANES = 16

_BATCH = 4
_SEQ = 8192
_TOTAL = _BATCH * _SEQ
_PER_W = _TOTAL // _NUM_WORKERS
_D = 32
_OUT_W = 2 * _D
_GROUPS = _PER_W // _LANES
_NCHUNK = 8
_GPC = _GROUPS // _NCHUNK
_CHUNK_F = _PER_W * _OUT_W // _NCHUNK


def _sc_body(pos_hbm, w0_hbm, w1_hbm, out_hbm,
             pos_v, w0_v, w1_v, out_v, sem_in, sem_out):
    wid = lax.axis_index("s") * _NUM_CORES + lax.axis_index("c")
    base = wid * _PER_W

    c0 = pltpu.async_copy(pos_hbm.at[pl.ds(base, _PER_W)], pos_v, sem_in)
    c1 = pltpu.async_copy(w0_hbm, w0_v, sem_in)
    c2 = pltpu.async_copy(w1_hbm, w1_v, sem_in)
    c0.wait()
    c1.wait()
    c2.wait()

    iota = lax.iota(jnp.int32, _LANES)
    iota16 = iota + _LANES
    iota32 = iota + 2 * _LANES
    iota48 = iota + 3 * _LANES

    @pl.loop(0, _NCHUNK)
    def _(k):
        @plsc.parallel_loop(0, _PER_W // _NCHUNK, unroll=4)
        def _(j):
            r = k * (_PER_W // _NCHUNK) + j
            ps = plsc.load_gather(pos_v, [jnp.full((_LANES,), r, jnp.int32)])
            b0 = lax.shift_left(lax.bitwise_and(ps, 255), 5)
            b1 = lax.shift_left(
                lax.bitwise_and(lax.shift_right_logical(ps, 8), 127), 5)
            ob = jnp.full((_LANES,), r * _OUT_W, jnp.int32)
            v00 = plsc.load_gather(w0_v, [b0 + iota])
            plsc.store_scatter(out_v, [ob + iota], v00)
            v01 = plsc.load_gather(w0_v, [b0 + iota16])
            plsc.store_scatter(out_v, [ob + iota16], v01)
            v10 = plsc.load_gather(w1_v, [b1 + iota])
            plsc.store_scatter(out_v, [ob + iota32], v10)
            v11 = plsc.load_gather(w1_v, [b1 + iota16])
            plsc.store_scatter(out_v, [ob + iota48], v11)

        pltpu.async_copy(
            out_v.at[pl.ds(k * _CHUNK_F, _CHUNK_F)],
            out_hbm.at[pl.ds(base * _OUT_W + k * _CHUNK_F, _CHUNK_F)],
            sem_out)

    pltpu.make_async_copy(
        out_v, out_hbm.at[pl.ds(base * _OUT_W, _PER_W * _OUT_W)],
        sem_out).wait()


@jax.jit
def _sc_embed(pos_seq, w0, w1):
    mesh = plsc.VectorSubcoreMesh(core_axis_name="c", subcore_axis_name="s")
    k = pl.kernel(
        _sc_body,
        mesh=mesh,
        compiler_params=pltpu.CompilerParams(
            use_tc_tiling_on_sc=False, needs_layout_passes=False),
        out_type=jax.ShapeDtypeStruct((_TOTAL * _OUT_W,), jnp.float32),
        scratch_types=[
            pltpu.VMEM((_PER_W,), jnp.int32),
            pltpu.VMEM((256 * _D,), jnp.float32),
            pltpu.VMEM((128 * _D,), jnp.float32),
            pltpu.VMEM((_PER_W * _OUT_W,), jnp.float32),
            pltpu.SemaphoreType.DMA,
            pltpu.SemaphoreType.DMA,
        ],
    )
    out = k(pos_seq.reshape(_TOTAL),
            w0.reshape(256 * _D),
            w1.reshape(128 * _D))
    return out.reshape(_BATCH, _SEQ, _OUT_W)


def kernel(pos_seq, W0, W1):
    return _sc_embed(pos_seq, W0, W1)

# --- scband reference (transcript-rebuilt; emitter-appended) ---
"""Pipeline reference for scband-learnable-positional-embedding-25039659336151 (READ-ONLY COPY).

The authoritative reference and input builder live on the scoring server;
editing this copy changes nothing except your own understanding.
"""

import jax, jax.numpy as jnp
import numpy as np

SUB_SHAPE = (256, 128)
D_SUB = (32, 32)
MAX_LEN = 32768


def _xavier_normal(key, shape):
    fan_out, fan_in = shape[0], shape[1]
    std = np.sqrt(2.0 / (fan_in + fan_out))
    return jax.random.normal(key, shape, dtype=jnp.float32) * std


def setup_inputs(seed: int = 0) -> dict:
    key = jax.random.key(seed)
    k1, k2, k3 = jax.random.split(key, 3)
    pos_seq = jax.random.randint(k1, (4, 8192), 0, MAX_LEN, dtype=jnp.int64 if jax.config.jax_enable_x64 else jnp.int32)
    W0 = _xavier_normal(k2, (SUB_SHAPE[0], D_SUB[0]))
    W1 = _xavier_normal(k3, (SUB_SHAPE[1], D_SUB[1]))
    return {"pos_seq": pos_seq, "W0": W0, "W1": W1}


def reference(pos_seq, W0, W1):
    # Hierarchical learnable positional embedding:
    # level l uses index = (pos // prod(prev sizes)) % size_l, embeddings concatenated on last dim.
    weights = (W0, W1)
    x = pos_seq
    embeddings = []
    for l in range(len(weights)):
        size = SUB_SHAPE[l]
        weight = weights[l]
        index = jnp.remainder(x, size)
        embeddings.append(jnp.take(weight, index, axis=0))
        x = x // size  # integer (floor) division, matching intended torch integer div semantics
    # original raises if any residual x > 0 (position >= max_len); inputs are guaranteed in-range here
    return jnp.concatenate(embeddings, axis=-1)

if __name__ == "__main__":
    import jax
    _d = setup_inputs()
    print(jax.jit(kernel)(*tuple(_d.values())))

</pallas_src>

<mosaic_0001>
#map = affine_map<(d0, d1) -> (0)>
module attributes {stable_mosaic.version = 14 : i64} {
  func.func @_sc_body(%arg0: i32, %arg1: i32, %arg2: memref<32768xi32, #tpu.memory_space<hbm>>, %arg3: memref<8192xf32, #tpu.memory_space<hbm>>, %arg4: memref<4096xf32, #tpu.memory_space<hbm>>, %arg5: memref<2097152xf32, #tpu.memory_space<hbm>>, %arg6: memref<1024xi32, #tpu.memory_space<vmem>>, %arg7: memref<8192xf32, #tpu.memory_space<vmem>>, %arg8: memref<4096xf32, #tpu.memory_space<vmem>>, %arg9: memref<65536xf32, #tpu.memory_space<vmem>>, %arg10: memref<!tpu.dma_semaphore, #tpu.memory_space<semaphore_mem>>, %arg11: memref<!tpu.dma_semaphore, #tpu.memory_space<semaphore_mem>>) attributes {dimension_semantics = [#tpu.dimension_semantics<core_parallel>, #tpu.dimension_semantics<subcore_parallel>], iteration_bounds = array<i64: 2, 16>, scalar_prefetch = 0 : i64, scratch_operands = 6 : i64, tpu.core_type = #tpu.core_type<sc_vector_subcore>, window_params = [{transform_indices = #map}, {transform_indices = #map}, {transform_indices = #map}, {transform_indices = #map}]} {
    %mul3A = arith.constant 2 : i32
    %mul3A_0 = arith.muli %arg1, %mul3A : i32
    %add3A = arith.addi %mul3A_0, %arg0 : i32
    %mul3A_1 = arith.constant 1024 : i32
    %mul3A_2 = arith.muli %add3A, %mul3A_1 : i32
    %dma_start3A = tpu.memref_slice %arg2[%mul3A_2] : memref<32768xi32, #tpu.memory_space<hbm>> -> memref<1024xi32, #tpu.memory_space<hbm>>
    %dma_start3A_3 = tpu.memref_slice %arg2[%mul3A_2] : memref<32768xi32, #tpu.memory_space<hbm>> -> memref<1024xi32, #tpu.memory_space<hbm>>
    tpu.enqueue_dma source(%dma_start3A_3 : memref<1024xi32, #tpu.memory_space<hbm>>) target(%arg6 : memref<1024xi32, #tpu.memory_space<vmem>>) target_semaphore(%arg10 : memref<!tpu.dma_semaphore, #tpu.memory_space<semaphore_mem>>)
    tpu.enqueue_dma source(%arg3 : memref<8192xf32, #tpu.memory_space<hbm>>) target(%arg7 : memref<8192xf32, #tpu.memory_space<vmem>>) target_semaphore(%arg10 : memref<!tpu.dma_semaphore, #tpu.memory_space<semaphore_mem>>)
    tpu.enqueue_dma source(%arg4 : memref<4096xf32, #tpu.memory_space<hbm>>) target(%arg8 : memref<4096xf32, #tpu.memory_space<vmem>>) target_semaphore(%arg10 : memref<!tpu.dma_semaphore, #tpu.memory_space<semaphore_mem>>)
    %dma_wait3A = tpu.memref_slice %arg2[%mul3A_2] : memref<32768xi32, #tpu.memory_space<hbm>> -> memref<1024xi32, #tpu.memory_space<hbm>>
    %dma_wait3A_4 = tpu.memref_slice %arg2[%mul3A_2] : memref<32768xi32, #tpu.memory_space<hbm>> -> memref<1024xi32, #tpu.memory_space<hbm>>
    tpu.wait_dma2 semaphore(%arg10 : memref<!tpu.dma_semaphore, #tpu.memory_space<semaphore_mem>>) src(%dma_wait3A_4 : memref<1024xi32, #tpu.memory_space<hbm>>) dst(%arg6 : memref<1024xi32, #tpu.memory_space<vmem>>)
    tpu.wait_dma2 semaphore(%arg10 : memref<!tpu.dma_semaphore, #tpu.memory_space<semaphore_mem>>) src(%arg3 : memref<8192xf32, #tpu.memory_space<hbm>>) dst(%arg7 : memref<8192xf32, #tpu.memory_space<vmem>>)
    tpu.wait_dma2 semaphore(%arg10 : memref<!tpu.dma_semaphore, #tpu.memory_space<semaphore_mem>>) src(%arg4 : memref<4096xf32, #tpu.memory_space<hbm>>) dst(%arg8 : memref<4096xf32, #tpu.memory_space<vmem>>)
    %iota3A = tpu.iota {dimensions = array<i32: 0>} : vector<16xi32>
    %add3A_5 = arith.constant 16 : i32
    %add3A_6 = vector.broadcast %add3A_5 : i32 to vector<16xi32>
    %add3A_7 = arith.addi %iota3A, %add3A_6 : vector<16xi32>
    %add3A_8 = arith.constant 32 : i32
    %add3A_9 = vector.broadcast %add3A_8 : i32 to vector<16xi32>
    %add3A_10 = arith.addi %iota3A, %add3A_9 : vector<16xi32>
    %add3A_11 = arith.constant 48 : i32
    %add3A_12 = vector.broadcast %add3A_11 : i32 to vector<16xi32>
    %add3A_13 = arith.addi %iota3A, %add3A_12 : vector<16xi32>
    %scan3A = arith.constant 0 : i32
    %scan3A_14 = arith.constant 8 : i32
    %scan3A_15 = arith.addi %scan3A, %scan3A_14 : i32
    %scan3A_16 = arith.constant 1 : i32
    scf.for %scan3A_22 = %scan3A to %scan3A_15 step %scan3A_16  : i32 {
      %mul3A_23 = arith.constant 1 : i32
      %mul3A_24 = arith.muli %scan3A_22, %mul3A_23 : i32
      %add3A_25 = arith.constant 0 : i32
      %add3A_26 = arith.addi %add3A_25, %mul3A_24 : i32
      %parallel_loop3A = arith.constant 0 : i32
      %parallel_loop3A_27 = arith.constant 128 : i32
      %parallel_loop3A_28 = arith.constant 1 : i32
      scf.for %parallel_loop3A_40 = %parallel_loop3A to %parallel_loop3A_27 step %parallel_loop3A_28  : i32 {
        %parallel_loop3A_41 = arith.constant 128 : i32
        %parallel_loop3A_42 = arith.muli %add3A_26, %parallel_loop3A_41 : i32
        %parallel_loop3A_43 = arith.addi %parallel_loop3A_42, %parallel_loop3A_40 : i32
        %parallel_loop3A_44 = vector.broadcast %parallel_loop3A_43 : i32 to vector<16xi32>
        %parallel_loop3A_45 = tpu.vector_load_idx %arg6[%parallel_loop3A_44] : memref<1024xi32, #tpu.memory_space<vmem>>[vector<16xi32>], vector<16xi32>,
        %parallel_loop3A_46 = arith.constant 255 : i32
        %parallel_loop3A_47 = vector.broadcast %parallel_loop3A_46 : i32 to vector<16xi32>
        %parallel_loop3A_48 = arith.andi %parallel_loop3A_45, %parallel_loop3A_47 : vector<16xi32>
        %parallel_loop3A_49 = arith.constant 5 : i32
        %parallel_loop3A_50 = vector.broadcast %parallel_loop3A_49 : i32 to vector<16xi32>
        %parallel_loop3A_51 = arith.shli %parallel_loop3A_48, %parallel_loop3A_50 : vector<16xi32>
        %parallel_loop3A_52 = arith.constant 8 : i32
        %parallel_loop3A_53 = vector.broadcast %parallel_loop3A_52 : i32 to vector<16xi32>
        %parallel_loop3A_54 = arith.shrui %parallel_loop3A_45, %parallel_loop3A_53 : vector<16xi32>
        %parallel_loop3A_55 = arith.constant 127 : i32
        %parallel_loop3A_56 = vector.broadcast %parallel_loop3A_55 : i32 to vector<16xi32>
        %parallel_loop3A_57 = arith.andi %parallel_loop3A_54, %parallel_loop3A_56 : vector<16xi32>
        %parallel_loop3A_58 = arith.constant 5 : i32
        %parallel_loop3A_59 = vector.broadcast %parallel_loop3A_58 : i32 to vector<16xi32>
        %parallel_loop3A_60 = arith.shli %parallel_loop3A_57, %parallel_loop3A_59 : vector<16xi32>
        %parallel_loop3A_61 = arith.constant 64 : i32
        %parallel_loop3A_62 = arith.muli %parallel_loop3A_43, %parallel_loop3A_61 : i32
        %parallel_loop3A_63 = vector.broadcast %parallel_loop3A_62 : i32 to vector<16xi32>
        %parallel_loop3A_64 = arith.addi %parallel_loop3A_51, %iota3A : vector<16xi32>
        %parallel_loop3A_65 = tpu.vector_load_idx %arg7[%parallel_loop3A_64] : memref<8192xf32, #tpu.memory_space<vmem>>[vector<16xi32>], vector<16xf32>,
        %parallel_loop3A_66 = arith.addi %parallel_loop3A_63, %iota3A : vector<16xi32>
        tpu.vector_store_idx %arg9[%parallel_loop3A_66], %parallel_loop3A_65 : memref<65536xf32, #tpu.memory_space<vmem>>[vector<16xi32>], vector<16xf32>,
        %parallel_loop3A_67 = arith.addi %parallel_loop3A_51, %add3A_7 : vector<16xi32>
        %parallel_loop3A_68 = tpu.vector_load_idx %arg7[%parallel_loop3A_67] : memref<8192xf32, #tpu.memory_space<vmem>>[vector<16xi32>], vector<16xf32>,
        %parallel_loop3A_69 = arith.addi %parallel_loop3A_63, %add3A_7 : vector<16xi32>
        tpu.vector_store_idx %arg9[%parallel_loop3A_69], %parallel_loop3A_68 : memref<65536xf32, #tpu.memory_space<vmem>>[vector<16xi32>], vector<16xf32>,
        %parallel_loop3A_70 = arith.addi %parallel_loop3A_60, %iota3A : vector<16xi32>
        %parallel_loop3A_71 = tpu.vector_load_idx %arg8[%parallel_loop3A_70] : memref<4096xf32, #tpu.memory_space<vmem>>[vector<16xi32>], vector<16xf32>,
        %parallel_loop3A_72 = arith.addi %parallel_loop3A_63, %add3A_10 : vector<16xi32>
        tpu.vector_store_idx %arg9[%parallel_loop3A_72], %parallel_loop3A_71 : memref<65536xf32, #tpu.memory_space<vmem>>[vector<16xi32>], vector<16xf32>,
        %parallel_loop3A_73 = arith.addi %parallel_loop3A_60, %add3A_7 : vector<16xi32>
        %parallel_loop3A_74 = tpu.vector_load_idx %arg8[%parallel_loop3A_73] : memref<4096xf32, #tpu.memory_space<vmem>>[vector<16xi32>], vector<16xf32>,
        %parallel_loop3A_75 = arith.addi %parallel_loop3A_63, %add3A_13 : vector<16xi32>
        tpu.vector_store_idx %arg9[%parallel_loop3A_75], %parallel_loop3A_74 : memref<65536xf32, #tpu.memory_space<vmem>>[vector<16xi32>], vector<16xf32>,
      } {sc.loop_unroll_factor = 4 : i64, sc.parallel_access}
      %mul3A_29 = arith.constant 8192 : i32
      %mul3A_30 = arith.muli %add3A_26, %mul3A_29 : i32
      %mul3A_31 = arith.constant 64 : i32
      %mul3A_32 = arith.muli %mul3A_2, %mul3A_31 : i32
      %mul3A_33 = arith.constant 8192 : i32
      %mul3A_34 = arith.muli %add3A_26, %mul3A_33 : i32
      %add3A_35 = arith.addi %mul3A_32, %mul3A_34 : i32
      %dma_start3A_36 = tpu.memref_slice %arg9[%mul3A_30] : memref<65536xf32, #tpu.memory_space<vmem>> -> memref<8192xf32, #tpu.memory_space<vmem>>
      %dma_start3A_37 = tpu.memref_slice %arg5[%add3A_35] : memref<2097152xf32, #tpu.memory_space<hbm>> -> memref<8192xf32, #tpu.memory_space<hbm>>
      %dma_start3A_38 = tpu.memref_slice %arg5[%add3A_35] : memref<2097152xf32, #tpu.memory_space<hbm>> -> memref<8192xf32, #tpu.memory_space<hbm>>
      %dma_start3A_39 = tpu.memref_slice %arg9[%mul3A_30] : memref<65536xf32, #tpu.memory_space<vmem>> -> memref<8192xf32, #tpu.memory_space<vmem>>
      tpu.enqueue_dma source(%dma_start3A_39 : memref<8192xf32, #tpu.memory_space<vmem>>) target(%dma_start3A_38 : memref<8192xf32, #tpu.memory_space<hbm>>) target_semaphore(%arg11 : memref<!tpu.dma_semaphore, #tpu.memory_space<semaphore_mem>>)
    }
    %scan3A_17 = arith.constant 8 : i32
    %mul3A_18 = arith.constant 64 : i32
    %mul3A_19 = arith.muli %mul3A_2, %mul3A_18 : i32
    %dma_wait3A_20 = tpu.memref_slice %arg5[%mul3A_19] : memref<2097152xf32, #tpu.memory_space<hbm>> -> memref<65536xf32, #tpu.memory_space<hbm>>
    %dma_wait3A_21 = tpu.memref_slice %arg5[%mul3A_19] : memref<2097152xf32, #tpu.memory_space<hbm>> -> memref<65536xf32, #tpu.memory_space<hbm>>
    tpu.wait_dma2 semaphore(%arg11 : memref<!tpu.dma_semaphore, #tpu.memory_space<semaphore_mem>>) src(%arg9 : memref<65536xf32, #tpu.memory_space<vmem>>) dst(%dma_wait3A_21 : memref<65536xf32, #tpu.memory_space<hbm>>)
    return
  }
}

</mosaic_0001>

<sc_bundles>
// kernel: _sc_embed.3.cloned.1.call-start
scs
__scs_entry_jumppad:
0x0: {  	(pc) =	sbr.rel $0x88, $3  }
0x1: {  	(tag) =	ssettag $0x0;
	lr =	simm.s32 $0x1  }
0x2: {  	[smem:$0x3F9E] =	sst lr;
	_ =	strace $0xD0000000  }
0x3: {  	_ = 	snop  }
0x4: {  	_ = 	snop  }
0x5: {  	_ = 	snop  }
0x6: {  	_ = 	snop  }
0x7: {  	_ = 	snop  }
__scs_overlays_trampoline_lowered:
0x8: {  	[smem:$0x3FAD] =	sst s0  }
0x9: {  	[smem:$0x3FAE] =	sst s1  }
0xa: {  	[smem:$0x3FAF] =	sst s2  }
0xb: {  	[smem:$0x3FB0] =	sst s3  }
0xc: {  	[smem:$0x3FB1] =	sst s4  }
0xd: {  	[smem:$0x3FB2] =	sst s5  }
0xe: {  	[smem:$0x3FB3] =	sst s6  }
0xf: {  	[smem:$0x3FB4] =	sst s7  }
0x10: {  	[smem:$0x3FB5] =	sst s8  }
0x11: {  	[smem:$0x3FB6] =	sst s9;
	s0 =	simm.s32 @!p0 $0x0  }
0x12: {  	s1 =	sld [smem:$0x3F9C];
	s0 =	simm.s32 @p0 $0x1  }
0x13: {  	[smem:$0x3FB7] =	sst s0;
	s0 =	simm.s32 @!p1 $0x0  }
0x14: {  	s2 =	sld [smem:$0x3F9B];
	s0 =	simm.s32 @p1 $0x1  }
0x15: {  	[smem:$0x3FB8] =	sst s0;
	s0 =	simm.s32 @!p2 $0x0  }
0x16: {  	s3 =	sld [smem:$0x3FDB];
	s0 =	simm.s32 @p2 $0x1  }
0x17: {  	s4 =	simm.s32 $0x1BF5;
	[smem:$0x3FBA] =	sst s0  }
0x18: {  	s0 =	sld [smem:$0x3F9D];
	_ =	swait.ge [sflag:s4], $0x0  }
0x19: {  	s7 =	sld [smem:$0x3F9E]  }
0x1a: {  	s8 =	sadd.s32 $0xFFFFE003, lr  }
0x1b: {  	s9 =	sadd.s32 $0xFFFFFEF7, lr;
	s5 =	simm.s32 $0xFFFFFFFF;
	p2 =	slt.u32 s8, $0xFFFFF086  }
0x1c: {  	p1 =	slt.u32 s9, $0xF7A;
	s5 =	simm.s32 @!p2 $0x0  }
0x1d: {  	s5 =	simm.s32 @p1 $0x1;
	p0 =	seq.s32 s7, s2  }
0x1e: {  	s7 =	smul.u32 @!p0 $0xF7A, s2;
	p2 =	seq.s32 @!p0 s5, $0x0  }
0x1f: {  	s9 =	smul.u32 $0xF7A, s1;
	s8 =	simm.s32 @!p0 $0x1BF5;
	p2 =	por !p2, p0  }
0x20: {  	[sflag:s8] =	ssyncset.s32 @!p0 $0xFFFFF086;
	s6 =	sadd.s32 @!p0 s3, s7;
	s7 =	simm.s32 @!p0 $0x108  }
0x21: {  	s3 =	sadd.s32 s3, s9;
	s6 =	sadd.s32 @!p0 $0x88, s6;
	s7 =	simm.s32 @p2 $0x1082  }
0x22: {  	[simem:s7], [sflag:s8] =	dma.local @!p0 [hbm:s6], $0xF7A  }
0x23: {  	s9 =	sor.u32 $0xD0000000, s2;
	s6 =	simm.s32 $0x108;
	_ =	swait.ge @!p0 [sflag:s8], $0x0  }
0x24: {  	s3 =	sadd.s32 $0x88, s3;
	s6 =	simm.s32 @!p1 $0x1082;
	[sflag:s4] =	ssyncset.s32 $0xFFFFF086  }
0x25: {  	[simem:s6], [sflag:s4] =	dma.local [hbm:s3], $0xF7A  }
0x26: {  	[smem:$0x3F9E] =	sst s1;
	(tag) =	ssettag s2;
	_ =	strace s9  }
0x27: {  	s1 =	sld [smem:$0x3FAE]  }
0x28: {  	s2 =	sld [smem:$0x3FAF]  }
0x29: {  	s4 =	sld [smem:$0x3FB1]  }
0x2a: {  	p0 =	seq.s32 s5, $0x0;
	s5 =	sld [smem:$0x3FB2]  }
0x2b: {  	s6 =	sld [smem:$0x3FB3]  }
0x2c: {  	s7 =	sld [smem:$0x3FB4]  }
0x2d: {  	s3 =	simm.s32 $0x108;
	s8 =	sld [smem:$0x3FB5]  }
0x2e: {  	s3 =	simm.s32 @!p0 $0x1082;
	s9 =	sld [smem:$0x3FB6]  }
0x2f: {  	lr =	sadd.s32 s0, s3;
	s0 =	sld [smem:$0x3FAD]  }
0x30: {  	s3 =	sld [smem:$0x3FB0]  }
0x31: {  	[smem:$0x3FB9] =	sst s10  }
0x32: {  	s10 =	sld [smem:$0x3FB7];
	_ =	sdelay $0x3  }
0x33: {  	p0 =	seq.s32 s10, $0x1;
	s10 =	sld [smem:$0x3FB9];
	_ =	sdelay $0x3  }
0x34: {  	[smem:$0x3FB9] =	sst s10  }
0x35: {  	s10 =	sld [smem:$0x3FB8];
	_ =	sdelay $0x3  }
0x36: {  	p1 =	seq.s32 s10, $0x1;
	s10 =	sld [smem:$0x3FB9];
	_ =	sdelay $0x3  }
0x37: {  	[smem:$0x3FB9] =	sst s10  }
0x38: {  	s10 =	sld [smem:$0x3FBA]  }
0x39: {  	_ = 	snop;
	(pc) =	sbr.ind lr, $3  }
0x3a: {  	_ = 	snop  }
0x3b: {  	_ = 	snop  }
0x3c: {  	p2 =	seq.s32 s10, $0x1;
	s10 =	sld [smem:$0x3FB9]  }
0x3d: {  	_ =	shalt  }
0x3e: {  	_ =	shalt  }
0x3f: {  	_ =	shalt  }
0x40: {  	_ =	shalt  }
0x41: {  	_ =	shalt  }
0x42: {  	_ =	shalt  }
0x43: {  	_ =	shalt  }
0x44: {  	_ =	shalt  }
0x45: {  	_ =	shalt  }
0x46: {  	_ =	shalt  }
0x47: {  	_ =	shalt  }
0x48: {  	_ =	shalt  }
0x49: {  	_ =	shalt  }
0x4a: {  	_ =	shalt  }
0x4b: {  	_ =	shalt  }
0x4c: {  	_ =	shalt  }
0x4d: {  	_ =	shalt  }
0x4e: {  	_ =	shalt  }
0x4f: {  	_ =	shalt  }
0x50: {  	_ =	shalt  }
0x51: {  	_ =	shalt  }
0x52: {  	_ =	shalt  }
0x53: {  	_ =	shalt  }
0x54: {  	_ =	shalt  }
0x55: {  	_ =	shalt  }
0x56: {  	_ =	shalt  }
0x57: {  	_ =	shalt  }
0x58: {  	_ =	shalt  }
0x59: {  	_ =	shalt  }
0x5a: {  	_ =	shalt  }
0x5b: {  	_ =	shalt  }
0x5c: {  	_ =	shalt  }
0x5d: {  	_ =	shalt  }
0x5e: {  	_ =	shalt  }
0x5f: {  	_ =	shalt  }
0x60: {  	_ =	shalt  }
0x61: {  	_ =	shalt  }
0x62: {  	_ =	shalt  }
0x63: {  	_ =	shalt  }
0x64: {  	_ =	shalt  }
0x65: {  	_ =	shalt  }
0x66: {  	_ =	shalt  }
0x67: {  	_ =	shalt  }
0x68: {  	_ =	shalt  }
0x69: {  	_ =	shalt  }
0x6a: {  	_ =	shalt  }
0x6b: {  	_ =	shalt  }
0x6c: {  	_ =	shalt  }
0x6d: {  	_ =	shalt  }
0x6e: {  	_ =	shalt  }
0x6f: {  	_ =	shalt  }
0x70: {  	_ =	shalt  }
0x71: {  	_ =	shalt  }
0x72: {  	_ =	shalt  }
0x73: {  	_ =	shalt  }
0x74: {  	_ =	shalt  }
0x75: {  	_ =	shalt  }
0x76: {  	_ =	shalt  }
0x77: {  	_ =	shalt  }
0x78: {  	_ =	shalt  }
0x79: {  	_ =	shalt  }
0x7a: {  	_ =	shalt  }
0x7b: {  	_ =	shalt  }
0x7c: {  	_ =	shalt  }
0x7d: {  	_ =	shalt  }
0x7e: {  	_ =	shalt  }
0x7f: {  	_ =	shalt  }
0x80: {  	_ =	shalt  }
0x81: {  	_ =	shalt  }
0x82: {  	_ =	shalt  }
0x83: {  	_ =	shalt  }
0x84: {  	_ =	shalt  }
0x85: {  	_ =	shalt  }
0x86: {  	_ =	shalt  }
0x87: {  	_ =	shalt  }
.Lfunc_end0:
.L_simem_size_0:
called_computation_lowered:
.L_overlay_start_0:
0x88: {  	s2 =	sld [smem:$0x3FD9]  }
0x89: {  	s3 =	sld [smem:$0x3FFE];
	_ =	sdelay $0x1  }
0x8a: {  	s1 =	srdreg.scid  }
0x8b: {  	s0 =	sand.u32 $0x1, s1  }
0x8c: {  	s17 =	sshll.u32 s0, $0xA;
	s2 =	sadd.s32 s3, s2  }
0x8d: {  	s2 =	sadd.s32 s2, s17  }
0x8e: {  	[smem:$0x3FC5] =	sst s2  }
0x8f: {  	_ = 	snop  }
0x90: {  	s2 =	sld [smem:$0x3FD0];
	(tm) =	ssettm $0x1  }
0x91: {  	s18 =	sld [smem:$0x3FFB];
	_ =	sdelay $0x3  }
0x92: {  	_ =	strace s18  }
0x93: {  	s3 =	sld [smem:$0x3FFC];
	_ =	sdelay $0x3  }
0x94: {  	_ =	strace s3  }
0x95: {  	s3 =	sld [smem:$0x3FFD];
	_ =	sdelay $0x3  }
0x96: {  	_ =	strace s3  }
0x97: {  	_ =	strace $0x8FFFFFFF  }
0x98: {  	s19 =	sld [smem:$0x3FDB];
	_ =	sdelay $0x1  }
0x99: {  	s4 =	simm.s32 $_scs_section_size  }
0x9a: {  	s5 =	simm.s32 $_size__tile_overlayer_lowered;
	s6 =	simm.s32 $_tile_overlayer_lowered  }
0x9b: {  	s22 =	simm.s32 $0x1BFF;
	s21 =	sshll.u32 s6, $0x1;
	s3 =	sadd.s32 s4, s19  }
0x9c: {  	s7 =	simm.s32 $0x0;
	s20 =	sshll.u32 s5, $0x1;
	s5 =	sadd.s32 s21, s3  }
0x9d: {  	[timem:s7], [sflag:s22] =	dma.local [hbm:s5], s20  }
0x9e: {  	_ =	swait.ge [sflag:s22], s20  }
0x9f: {  	s4 =	ssub.s32 $0x0, s20;
	[sflag:s22] =	ssyncset.done $0x0  }
0xa0: {  	[sflag:s22] =	ssyncadd.s32 s4;
	_ =	sdelay $0x1  }
0xa1: {  	s23 =	simm.s32 $0x1B8B  }
0xa2: {  	_ =	swait.ge [sflag:s23], $0x1  }
0xa3: {  	[sflag:s23] =	ssyncset.done $0x0  }
0xa4: {  	s25 =	simm.s32 $0x1B8E;
	s24 =	sld [smem:$0x3FFE];
	[sflag:s23] =	ssyncadd.s32 $0xFFFFFFFF  }
0xa5: {  	s26 =	simm.s32 $execute0_lowered;
	[smem:$0x3FD2] =	sst s25  }
0xa6: {  	s5 =	sshll.u32 s26, $0x1;
	_ =	strace $0x80000046;
	[dreg:$0x1] =	wrdreg $0xFFFFFFFF  }
0xa7: {  	s28 =	simm.s32 $_size_execute0_lowered;
	s3 =	sadd.s32 s3, s5;
	[dreg:$0x0] =	wrdreg $0x0  }
0xa8: {  	s5 =	sshll.u32 s28, $0x1;
	[dreg:$0x2] =	wrdreg s3  }
0xa9: {  	[dreg:$0x3] =	wrdreg s5  }
0xaa: {  	[dreg:$0x4] =	wrdreg $0xC0  }
0xab: {  	_ =	task [dreg:s7], $0x5FFFF  }
0xac: {  	[dreg:$0x1] =	wrdreg $0xFFFFFFFF  }
0xad: {  	[dreg:$0x0] =	wrdreg $0x60  }
0xae: {  	[dreg:$0x2] =	wrdreg s24  }
0xaf: {  	[dreg:$0x3] =	wrdreg s2  }
0xb0: {  	[dreg:$0x4] =	wrdreg $0x9  }
0xb1: {  	_ =	task.clear_ibuf [dreg:s7], $0x5FFFF;
	_ =	strace $0x90000046  }
0xb2: {  	s29 =	simm.s32 $0x9;
	_ =	strace $0x80000048  }
0xb3: {  	_ =	swait.ge [sflag:s29], $0x1  }
0xb4: {  	[sflag:s29] =	ssyncadd.s32 $0xFFFFFFFF  }
0xb5: {  	_ =	strace $0x90000048  }
0xb6: {  	_ =	sfence  }
0xb7: {  	s30 =	sld [smem:$0x0];
	_ =	sdelay $0x2  }
0xb8: {  	s31 =	sshll.u32 s1, $0xD;
	s1 =	sshrl.u32 s1, $0x2  }
0xb9: {  	s3 =	sand.u32 $0x4000, s31;
	s1 =	sadd.s32 s1, s30  }
0xba: {  	s0 =	sor.u32 s3, s0;
	s1 =	sshll.u32 s1, $0x11  }
0xbb: {  	s0 =	sor.u32 s1, s0  }
0xbc: {  	s0 =	sadd.s32 $0x8F2B, s0  }
0xbd: {  	[sflag:s0] =	ssyncadd.remote.s32 $0x1  }
0xbe: {  	_ =	sfence.sel $0xFFFF  }
0xbf: {  	[dreg:$0x0] =	wrdreg $0xFFFFFFFF;
	(pc) =	sbr.abs _section_cstart, $3  }
0xc0: {  	[dreg:$0x1] =	wrdreg $0xFFFFFFFF  }
0xc1: {  	_ =	task.clear_ibuf [dreg:s7], $0x2FFFF;
	_ =	strace $0x9FFFFFFF  }
0xc2: {  	(tm) =	ssettm $0x7FFFFFFF  }
0xc3: {  	_ =	shalt  }
tec
execute0_lowered:
.L_overlay_start_1:
0x0: {  	(tag) =	ssettag $0x1  }
0x1: {  	s5 =	rddreg [dreg:$0x0]  }
0x2: {  	s1 =	srdreg.scid;
	s0 =	stileid.u32  }
0x3: {  	s2 =	rddreg [dreg:$0x1];
	s3 =	simm.s32 $0x0;
	s10 =	simm.s32 $0x2400  }
0x4: {  	s11 =	simm.s32 $0x1;
	s12 =	simm.s32 $0x3400;
	s13 =	simm.s32 $0x2  }
0x5: {  	s4 =	sand.u32 $0x1, s1;
	s6 =	sshll.u32 s0, $0x1;
	s1 =	rddreg [dreg:$0x2]  }
0x6: {  	s14 =	simm.s32 $0x0;
	[smem:$0x7FF] =	sst s3;
	s7 =	sor.u32 s4, s6  }
0x7: {  	s8 =	ssub.s32 $0x2, s4;
	_ =	strace $0x80000047;
	s4 =	sadd.s32 $0x1600, s5  }
0x8: {  	v0 =	vlaneseq.u32;
	s6 =	sshll.u32 s7, $0x7;
	s9 =	sshrl.u32 s8, $0x1;
	s7 =	sshll.u32 s7, $0x10  }
0x9: {  	v1 =	vor.u32 $0x1FE8, v0;
	v2 =	vor.u32 $0x10, v0;
	s6 =	sadd.s32 s6, s5;
	s5 =	sadd.s32 $0x400, s5;
	s8 =	ssub.s32 s8, s9  }
0xa: {  	v3 =	vor.u32 $0x1FF8, v0;
	v4 =	vor.u32 $0x20, v0;
	v5 =	vor.u32 $0x30, v0;
	s9 =	simm.s32 $0x400;
	s6 =	sadd.s32 $0x600, s6;
	s8 =	smax.u32 s8, $0x1  }
.LBB2_1:
0xb: {  	[tilespmem:s3], [sflag:$0x1] =	stream.linear.gather [hbm4b:s6+s3], $0x400, $0x38;
	[tilespmem:$0x13400] =	vst v63  }
0xc: {  	_ = 	snop  }
0xd: {  	[tilespmem:s9], [sflag:$0x1] =	stream.linear.gather [hbm4b:s4+s3], $0x2000, $0x38;
	[tilespmem:$0x13400] =	vst v63  }
0xe: {  	_ = 	snop  }
0xf: {  	[tilespmem:s10], [sflag:$0x1] =	stream.linear.gather [hbm4b:s5+s3], $0x1000, $0x38;
	[tilespmem:$0x13400] =	vst v63  }
0x10: {  	_ =	swait.ge [sflag:s11], $0x400  }
0x11: {  	[sflag:s11] =	ssyncset.done $0x0  }
0x12: {  	[sflag:s11] =	ssyncadd.s32 $0xFFFFFC00  }
0x13: {  	_ =	swait.ge [sflag:s11], $0x2000  }
0x14: {  	[sflag:s11] =	ssyncset.done $0x0  }
0x15: {  	[sflag:s11] =	ssyncadd.s32 $0xFFFFE000  }
0x16: {  	_ =	swait.ge [sflag:s11], $0x1000  }
0x17: {  	s15 =	simm.s32 $0xC0;
	[sflag:s11] =	ssyncset.done $0x0  }
0x18: {  	s16 =	simm.s32 $0x0;
	s17 =	simm.s32 $0x0;
	[sflag:s11] =	ssyncadd.s32 $0xFFFFF000  }
.LBB2_2:
0x19: {  	s18 =	sadd.s32 $0xFFFFFFFC, s16  }
0x1a: {  	s19 =	sadd.s32 $0x6, s18  }
0x1b: {  	v6 =	vmov s19  }
0x1c: {  	v6 =	vand.u32 $0xFFFFFFFE, v6  }
0x1d: {  	v6 =	vbroadcast v6, $0x0  }
0x1e: {  	s20 =	sadd.s32 $0x4, s18  }
0x1f: {  	s28 =	sadd.s32 $0x5, s18;
	v7 =	vmov s20  }
0x20: {  	s18 =	sadd.s32 $0x7, s18;
	v8 =	vmov s28;
	v7 =	vand.u32 $0xFFFFFFFC, v7  }
0x21: {  	v9 =	vmov s18;
	v8 =	vand.u32 $0xFFFFFFFD, v8;
	v7 =	vbroadcast v7, $0x0  }
0x22: {  	v8 =	vbroadcast v8, $0x0  }
0x23: {  	v6 =	vld.idx.msk [tilespmem:v6+s3+$0x0], $0xffff  }
0x24: {  	s29 =	sadd.s32 $0x0, s16  }
0x25: {  	v18 =	vor.u32 s15, v0;
	s30 =	sadd.s32 $0x6, s29  }
0x26: {  	s31 =	sadd.s32 $0xFFFFFFC0, s15;
	s24 =	sadd.s32 $0xFFFFFF40, s15;
	v28 =	vor.u32 s15, v2;
	v34 =	vor.u32 s15, v4;
	v19 =	vmov s30;
	v9 =	vld.idx.msk [tilespmem:v9+s3+$0x0], $0xffff  }
0x27: {  	s21 =	sadd.s32 $0x4, s29;
	v20 =	vor.u32 s31, v0;
	v24 =	vor.u32 s24, v0;
	v19 =	vand.u32 $0xFFFFFFFE, v19;
	v7 =	vld.idx.msk [tilespmem:v7+s3+$0x0], $0xffff  }
0x28: {  	s23 =	sadd.s32 $0x5, s29;
	v21 =	vmov s21;
	v19 =	vbroadcast v19, $0x0;
	v8 =	vld.idx.msk [tilespmem:v8+s3+$0x0], $0xffff;
	v10 =	vshll.u32 v6, $0x5  }
0x29: {  	v22 =	vmov s23;
	v21 =	vand.u32 $0xFFFFFFFC, v21;
	v12 =	vor.u32 v0, v10  }
0x2a: {  	s25 =	sadd.s32 $0xFFFFFF80, s15;
	v22 =	vand.u32 $0xFFFFFFFD, v22;
	v21 =	vbroadcast v21, $0x0;
	v12 =	vand.u32 v1, v12  }
0x2b: {  	v25 =	vor.u32 s25, v0;
	v22 =	vbroadcast v22, $0x0;
	v16 =	vshll.u32 v9, $0x5  }
0x2c: {  	v26 =	vor.u32 s25, v2;
	v17 =	vor.u32 v0, v16;
	v11 =	vshll.u32 v7, $0x5  }
0x2d: {  	v17 =	vand.u32 v1, v17;
	v14 =	vshll.u32 v8, $0x5;
	v13 =	vor.u32 v0, v11  }
0x2e: {  	s26 =	sadd.s32 $0x4, s16;
	v31 =	vor.u32 s24, v4;
	v19 =	vld.idx.msk [tilespmem:v19+s3+$0x0], $0xffff;
	v15 =	vor.u32 v0, v14;
	v13 =	vand.u32 v1, v13  }
0x2f: {  	v32 =	vor.u32 s25, v4;
	s18 =	sadd.s32 $0x7, s29;
	s28 =	sadd.s32 $0x4, s26;
	v10 =	vor.u32 v2, v10;
	v15 =	vand.u32 v1, v15;
	v12 =	vld.idx.msk [tilespmem:v12+s9+$0x0], $0xffff  }
0x30: {  	v23 =	vmov s18;
	s18 =	sadd.s32 $0x100, s15;
	v39 =	vmov s28;
	v21 =	vld.idx.msk [tilespmem:v21+s3+$0x0], $0xffff;
	v10 =	vand.u32 v3, v10  }
0x31: {  	v41 =	vor.u32 s18, v0;
	s30 =	sadd.s32 $0xFFFFFF40, s18;
	v22 =	vld.idx.msk [tilespmem:v22+s3+$0x0], $0xffff;
	v9 =	vshrl.u32 v9, $0x3;
	v16 =	vor.u32 v2, v16  }
0x32: {  	v57 =	vor.u32 s30, v0;
	v9 =	vand.u32 $0xFE0, v9;
	v16 =	vand.u32 v3, v16;
	v17 =	vld.idx.msk [tilespmem:v17+s9+$0x0], $0xffff  }
0x33: {  	s19 =	sadd.s32 $0xFFFFFFC0, s18;
	v33 =	vor.u32 v0, v9;
	v42 =	vor.u32 v2, v9;
	v11 =	vor.u32 v2, v11;
	v13 =	vld.idx.msk [tilespmem:v13+s9+$0x0], $0xffff  }
0x34: {  	v60 =	vor.u32 s19, v4;
	v6 =	vshrl.u32 v6, $0x3;
	v11 =	vand.u32 v3, v11;
	v15 =	vld.idx.msk [tilespmem:v15+s9+$0x0], $0xffff;
	[tilespmem:v20+s12+$0x0] =	vst.idx.msk $0xffff, v12  }
0x35: {  	v7 =	vshrl.u32 v7, $0x3;
	v12 =	vand.u32 $0xFE0, v6;
	v6 =	vor.u32 s31, v2;
	v10 =	vld.idx.msk [tilespmem:v10+s9+$0x0], $0xffff  }
0x36: {  	s29 =	sadd.s32 $0x5, s26;
	v8 =	vshrl.u32 v8, $0x3;
	v14 =	vor.u32 v2, v14;
	v7 =	vand.u32 $0xFE0, v7  }
0x37: {  	v56 =	vmov s29;
	v14 =	vand.u32 v3, v14;
	[tilespmem:v18+s12+$0x0] =	vst.idx.msk $0xffff, v17;
	v17 =	vld.idx.msk [tilespmem:v23+s3+$0x0], $0xffff;
	v27 =	vor.u32 v0, v12  }
0x38: {  	v8 =	vand.u32 $0xFE0, v8;
	v29 =	vor.u32 v0, v7;
	v16 =	vld.idx.msk [tilespmem:v16+s9+$0x0], $0xffff;
	[tilespmem:v24+s12+$0x0] =	vst.idx.msk $0xffff, v13;
	v24 =	vshll.u32 v22, $0x5  }
0x39: {  	v20 =	vor.u32 s24, v2;
	[tilespmem:v25+s12+$0x0] =	vst.idx.msk $0xffff, v15;
	v15 =	vshll.u32 v21, $0x5;
	v11 =	vld.idx.msk [tilespmem:v11+s9+$0x0], $0xffff;
	v25 =	vor.u32 v0, v24  }
0x3a: {  	v23 =	vor.u32 v0, v15;
	v25 =	vand.u32 v1, v25;
	[tilespmem:v6+s12+$0x0] =	vst.idx.msk $0xffff, v10;
	v10 =	vshll.u32 v19, $0x5  }
0x3b: {  	v30 =	vor.u32 v0, v8;
	v23 =	vand.u32 v1, v23;
	v18 =	vor.u32 v0, v10  }
0x3c: {  	v35 =	vor.u32 v2, v7;
	v13 =	vor.u32 s31, v4;
	v9 =	vld.idx.msk [tilespmem:v27+s10+$0x0], $0xffff;
	v18 =	vand.u32 v1, v18  }
0x3d: {  	v7 =	vor.u32 s24, v5;
	v21 =	vshrl.u32 v21, $0x3;
	v14 =	vld.idx.msk [tilespmem:v14+s9+$0x0], $0xffff;
	v24 =	vor.u32 v2, v24;
	[tilespmem:v28+s12+$0x0] =	vst.idx.msk $0xffff, v16  }
0x3e: {  	s21 =	sadd.s32 $0x7, s26;
	v12 =	vor.u32 v2, v12;
	v15 =	vor.u32 v2, v15;
	v38 =	vand.u32 v3, v24;
	v33 =	vld.idx.msk [tilespmem:v33+s10+$0x0], $0xffff  }
0x3f: {  	v28 =	vmov s21;
	[tilespmem:v20+s12+$0x0] =	vst.idx.msk $0xffff, v11;
	v27 =	vshll.u32 v17, $0x5;
	v40 =	vld.idx.msk [tilespmem:v25+s9+$0x0], $0xffff;
	v25 =	vand.u32 $0xFFFFFFFC, v39  }
0x40: {  	s22 =	sadd.s32 $0x6, s26;
	v10 =	vor.u32 v2, v10;
	v23 =	vld.idx.msk [tilespmem:v23+s9+$0x0], $0xffff;
	v37 =	vor.u32 v0, v27;
	v20 =	vbroadcast v25, $0x0  }
0x41: {  	v37 =	vand.u32 v1, v37;
	[tilespmem:v13+s12+$0x0] =	vst.idx.msk $0xffff, v9;
	v9 =	vand.u32 v3, v15;
	v15 =	vld.idx.msk [tilespmem:v18+s9+$0x0], $0xffff;
	v18 =	vmov s22  }
0x42: {  	v24 =	vor.u32 s19, v0;
	[tilespmem:v26+s12+$0x0] =	vst.idx.msk $0xffff, v14;
	v14 =	vld.idx.msk [tilespmem:v29+s10+$0x0], $0xffff;
	v10 =	vand.u32 v3, v10;
	v18 =	vand.u32 $0xFFFFFFFE, v18  }
0x43: {  	v25 =	vand.u32 $0xFFFFFFFD, v56;
	v13 =	vor.u32 s31, v5;
	v12 =	vld.idx.msk [tilespmem:v12+s10+$0x0], $0xffff;
	v18 =	vbroadcast v18, $0x0  }
0x44: {  	v58 =	vand.u32 $0xFE0, v21;
	v21 =	vshrl.u32 v22, $0x3;
	v30 =	vld.idx.msk [tilespmem:v30+s10+$0x0], $0xffff;
	v29 =	vbroadcast v25, $0x0  }
0x45: {  	v36 =	vor.u32 v2, v8;
	v8 =	vor.u32 s25, v5;
	v44 =	vand.u32 $0xFE0, v21;
	v21 =	vld.idx.msk [tilespmem:v28+s3+$0x0], $0xffff;
	[tilespmem:v34+s12+$0x0] =	vst.idx.msk $0xffff, v33;
	s31 =	sadd.s32 $0xFFFFFF80, s18  }
0x46: {  	v22 =	vor.u32 v0, v58;
	v6 =	vor.u32 s15, v5;
	[tilespmem:v57+s12+$0x0] =	vst.idx.msk $0xffff, v23;
	v16 =	vor.u32 s31, v0;
	v11 =	vld.idx.msk [tilespmem:v37+s9+$0x0], $0xffff  }
0x47: {  	v26 =	vor.u32 s30, v2;
	v27 =	vor.u32 v2, v27;
	v47 =	vld.idx.msk [tilespmem:v20+s3+$0x0], $0xffff;
	[tilespmem:v24+s12+$0x0] =	vst.idx.msk $0xffff, v15;
	v15 =	vshrl.u32 v19, $0x3  }
0x48: {  	[tilespmem:v13+s12+$0x0] =	vst.idx.msk $0xffff, v12;
	v12 =	vshrl.u32 v17, $0x3;
	v17 =	vor.u32 s19, v2;
	v10 =	vld.idx.msk [tilespmem:v10+s9+$0x0], $0xffff;
	v43 =	vand.u32 $0xFE0, v15  }
0x49: {  	v27 =	vand.u32 v3, v27;
	[tilespmem:v31+s12+$0x0] =	vst.idx.msk $0xffff, v14;
	v46 =	vor.u32 v0, v43;
	v15 =	vld.idx.msk [tilespmem:v18+s3+$0x0], $0xffff  }
0x4a: {  	[tilespmem:v32+s12+$0x0] =	vst.idx.msk $0xffff, v30;
	v14 =	vor.u32 s18, v5;
	v25 =	vor.u32 s31, v2;
	v20 =	vor.u32 v0, v44;
	v19 =	vld.idx.msk [tilespmem:v29+s3+$0x0], $0xffff  }
0x4b: {  	v24 =	vor.u32 s18, v2;
	v13 =	vor.u32 s30, v4;
	[tilespmem:v16+s12+$0x0] =	vst.idx.msk $0xffff, v40;
	v29 =	vld.idx.msk [tilespmem:v9+s9+$0x0], $0xffff;
	v9 =	vor.u32 v2, v44  }
0x4c: {  	v45 =	vand.u32 $0xFE0, v12;
	[tilespmem:v41+s12+$0x0] =	vst.idx.msk $0xffff, v11;
	v11 =	vor.u32 v2, v58;
	v12 =	vor.u32 s31, v4  }
0x4d: {  	v31 =	vld.idx.msk [tilespmem:v38+s9+$0x0], $0xffff;
	v28 =	vshll.u32 v47, $0x5;
	v38 =	vshll.u32 v21, $0x5;
	v16 =	vor.u32 v0, v45;
	[tilespmem:v17+s12+$0x0] =	vst.idx.msk $0xffff, v10  }
0x4e: {  	v23 =	vor.u32 v2, v45;
	v39 =	vor.u32 v2, v43;
	v59 =	vld.idx.msk [tilespmem:v46+s10+$0x0], $0xffff;
	v30 =	vshll.u32 v15, $0x5  }
0x4f: {  	v34 =	vld.idx.msk [tilespmem:v27+s9+$0x0], $0xffff;
	v27 =	vor.u32 v0, v28;
	v41 =	vor.u32 v2, v28;
	v61 =	vor.u32 v0, v30  }
0x50: {  	v63 =	vor.u32 v0, v38;
	v62 =	vshll.u32 v19, $0x5;
	v40 =	vand.u32 v1, v61  }
0x51: {  	v33 =	vld.idx.msk [tilespmem:v35+s10+$0x0], $0xffff;
	v28 =	vshrl.u32 v47, $0x3;
	v37 =	vand.u32 v1, v27;
	v27 =	vor.u32 v0, v62  }
0x52: {  	v32 =	vld.idx.msk [tilespmem:v36+s10+$0x0], $0xffff;
	v18 =	vor.u32 s30, v5;
	v36 =	vand.u32 v1, v63;
	v35 =	vand.u32 v1, v27  }
0x53: {  	s20 =	simm.s32 $0x8;
	v10 =	vor.u32 s18, v4;
	v17 =	vor.u32 s31, v5;
	v27 =	vld.idx.msk [tilespmem:v42+s10+$0x0], $0xffff;
	v42 =	vor.u32 v2, v62;
	[tilespmem:v60+s12+$0x0] =	vst.idx.msk $0xffff, v59  }
.LBB2_3:
0x54: {  	s21 =	sadd.s32 s20, s16;
	s20 =	sadd.s32 $0x4, s20;
	v41 =	vand.u32 v3, v41;
	v42 =	vand.u32 v3, v42;
	v38 =	vor.u32 v2, v38;
	v39 =	vld.idx.msk [tilespmem:v39+s10+$0x0], $0xffff;
	s18 =	sadd.s32 $0x100, s18  }
0x55: {  	s22 =	sadd.s32 $0x6, s21;
	p0 =	slt.u32 s20, $0x7C;
	v40 =	vld.idx.msk [tilespmem:v40+s9+$0x0], $0xffff;
	v43 =	vor.u32 s18, v0;
	v38 =	vand.u32 v3, v38;
	[tilespmem:v26+s12+$0x0] =	vst.idx.msk $0xffff, v29;
	v26 =	vor.u32 s19, v5;
	s19 =	sadd.s32 $0xFFFFFFC0, s18  }
0x56: {  	v30 =	vor.u32 v2, v30;
	v45 =	vmovc v23;
	s23 =	sadd.s32 $0x4, s21;
	s24 =	sadd.s32 $0x5, s21;
	v29 =	vmov s22;
	s22 =	sadd.s32 $0x7, s21;
	v37 =	vld.idx.msk [tilespmem:v37+s9+$0x0], $0xffff;
	v44 =	vor.u32 s19, v0;
	[tilespmem:v25+s12+$0x0] =	vst.idx.msk $0xffff, v31  }
0x57: {  	v30 =	vand.u32 v3, v30;
	v23 =	vmov s23;
	s23 =	sadd.s32 $0xFFFFFF40, s18;
	s21 =	sadd.s32 $0xFFFFFF80, s18;
	v25 =	vand.u32 $0xFFFFFFFE, v29;
	v29 =	vld.idx.msk [tilespmem:v35+s9+$0x0], $0xffff;
	[tilespmem:v24+s12+$0x0] =	vst.idx.msk $0xffff, v34  }
0x58: {  	v23 =	vand.u32 $0xFFFFFFFC, v23;
	v24 =	vmov s24;
	v25 =	vbroadcast v25, $0x0;
	v31 =	vld.idx.msk [tilespmem:v36+s9+$0x0], $0xffff;
	[tilespmem:v7+s12+$0x0] =	vst.idx.msk $0xffff, v33;
	v7 =	vmovc v18  }
0x59: {  	v18 =	vbroadcast v23, $0x0;
	v23 =	vand.u32 $0xFFFFFFFD, v24;
	v33 =	vmov s22;
	v34 =	vld.idx.msk [tilespmem:v22+s10+$0x0], $0xffff;
	[tilespmem:v8+s12+$0x0] =	vst.idx.msk $0xffff, v32;
	v8 =	vmovc v17  }
0x5a: {  	v17 =	vbroadcast v23, $0x0;
	v22 =	vor.u32 s23, v0;
	v23 =	vor.u32 s21, v0;
	v32 =	vld.idx.msk [tilespmem:v20+s10+$0x0], $0xffff;
	[tilespmem:v26+s12+$0x0] =	vst.idx.msk $0xffff, v39  }
0x5b: {  	v28 =	vand.u32 $0xFE0, v28;
	v19 =	vshrl.u32 v19, $0x3;
	v20 =	vshrl.u32 v21, $0x3;
	[tilespmem:v44+s12+$0x0] =	vst.idx.msk $0xffff, v40;
	v35 =	vld.idx.msk [tilespmem:v16+s10+$0x0], $0xffff  }
0x5c: {  	v15 =	vshrl.u32 v15, $0x3;
	v36 =	vand.u32 $0xFE0, v19;
	v39 =	vand.u32 $0xFE0, v20;
	v30 =	vld.idx.msk [tilespmem:v30+s9+$0x0], $0xffff;
	[tilespmem:v6+s12+$0x0] =	vst.idx.msk $0xffff, v27;
	v6 =	vmovc v14  }
0x5d: {  	v26 =	vor.u32 s23, v2;
	v27 =	vand.u32 $0xFE0, v15;
	v14 =	vor.u32 s19, v2  }
0x5e: {  	v24 =	vor.u32 s18, v2;
	v40 =	vor.u32 v0, v27;
	v15 =	vld.idx.msk [tilespmem:v25+s3+$0x0], $0xffff;
	v25 =	vor.u32 s21, v2;
	[tilespmem:v43+s12+$0x0] =	vst.idx.msk $0xffff, v31  }
0x5f: {  	v20 =	vor.u32 v0, v36;
	v43 =	vld.idx.msk [tilespmem:v18+s3+$0x0], $0xffff;
	[tilespmem:v22+s12+$0x0] =	vst.idx.msk $0xffff, v37;
	v22 =	vor.u32 v0, v28  }
0x60: {  	v16 =	vor.u32 v0, v39;
	v31 =	vor.u32 s23, v4;
	v37 =	vor.u32 s21, v4;
	v19 =	vld.idx.msk [tilespmem:v17+s3+$0x0], $0xffff;
	[tilespmem:v23+s12+$0x0] =	vst.idx.msk $0xffff, v29  }
0x61: {  	v28 =	vor.u32 v2, v28;
	v18 =	vor.u32 s23, v5;
	v21 =	vld.idx.msk [tilespmem:v33+s3+$0x0], $0xffff;
	v33 =	vor.u32 s18, v4;
	[tilespmem:v13+s12+$0x0] =	vst.idx.msk $0xffff, v34  }
0x62: {  	v36 =	vor.u32 v2, v36;
	v23 =	vor.u32 v2, v39;
	v29 =	vld.idx.msk [tilespmem:v41+s9+$0x0], $0xffff;
	[tilespmem:v14+s12+$0x0] =	vst.idx.msk $0xffff, v30  }
0x63: {  	v17 =	vor.u32 s21, v5;
	v13 =	vmovc v31;
	v14 =	vor.u32 s18, v5;
	v44 =	vld.idx.msk [tilespmem:v40+s10+$0x0], $0xffff;
	[tilespmem:v12+s12+$0x0] =	vst.idx.msk $0xffff, v32;
	v12 =	vmov v37  }
0x64: {  	v46 =	vor.u32 s19, v4;
	v30 =	vshll.u32 v15, $0x5;
	v31 =	vld.idx.msk [tilespmem:v42+s9+$0x0], $0xffff;
	[tilespmem:v10+s12+$0x0] =	vst.idx.msk $0xffff, v35;
	v10 =	vmov v33  }
.Ltmp0:
0x65: {  	v39 =	vor.u32 v2, v27;
	v35 =	vshll.u32 v43, $0x5;
	v32 =	vor.u32 v0, v30;
	v34 =	vld.idx.msk [tilespmem:v38+s9+$0x0], $0xffff;
	(pc) =	sbr.rel @p0 .LBB2_3-.Ltmp0, $4  }
0x66: {  	v27 =	vor.u32 v0, v35;
	v42 =	vshll.u32 v19, $0x5;
	v40 =	vand.u32 v1, v32;
	v33 =	vld.idx.msk [tilespmem:v11+s10+$0x0], $0xffff;
	v11 =	vmovc v28  }
0x67: {  	v37 =	vand.u32 v1, v27;
	v27 =	vor.u32 v0, v42;
	v38 =	vshll.u32 v21, $0x5;
	v32 =	vld.idx.msk [tilespmem:v9+s10+$0x0], $0xffff;
	v9 =	vmovc v36  }
0x68: {  	v41 =	vor.u32 v2, v35;
	v35 =	vand.u32 v1, v27;
	v36 =	vor.u32 v0, v38;
	v27 =	vld.idx.msk [tilespmem:v45+s10+$0x0], $0xffff  }
0x69: {  	v28 =	vshrl.u32 v43, $0x3;
	v42 =	vor.u32 v2, v42;
	v36 =	vand.u32 v1, v36;
	[tilespmem:v46+s12+$0x0] =	vst.idx.msk $0xffff, v44  }
0x6a: {  	_ =	sdelay $0x3  }
0x6b: {  	s18 =	sadd.s32 $0x100, s18;
	[tilespmem:v26+s12+$0x0] =	vst.idx.msk $0xffff, v29;
	v51 =	vld.idx.msk [tilespmem:v40+s9+$0x0], $0xffff  }
0x6c: {  	[tilespmem:v25+s12+$0x0] =	vst.idx.msk $0xffff, v31;
	v61 =	vld.idx.msk [tilespmem:v36+s9+$0x0], $0xffff;
	s20 =	sadd.s32 $0xFFFFFFC0, s18;
	v60 =	vor.u32 s18, v0  }
0x6d: {  	v30 =	vor.u32 v2, v30;
	[tilespmem:v24+s12+$0x0] =	vst.idx.msk $0xffff, v34;
	v59 =	vor.u32 v2, v38;
	s29 =	sadd.s32 $0xFFFFFF40, s18;
	v52 =	vor.u32 s20, v0  }
0x6e: {  	v55 =	vld.idx.msk [tilespmem:v37+s9+$0x0], $0xffff;
	[tilespmem:v7+s12+$0x0] =	vst.idx.msk $0xffff, v33;
	v62 =	vand.u32 v3, v59;
	v7 =	vor.u32 s29, v0  }
0x6f: {  	v39 =	vld.idx.msk [tilespmem:v39+s10+$0x0], $0xffff;
	v50 =	vor.u32 s19, v5;
	v53 =	vand.u32 v3, v30;
	s21 =	sadd.s32 $0xFFFFFF80, s18;
	[tilespmem:v8+s12+$0x0] =	vst.idx.msk $0xffff, v32  }
0x70: {  	v54 =	vand.u32 v3, v41;
	v57 =	vld.idx.msk [tilespmem:v35+s9+$0x0], $0xffff;
	v58 =	vor.u32 s21, v0;
	[tilespmem:v6+s12+$0x0] =	vst.idx.msk $0xffff, v27  }
0x71: {  	v56 =	vand.u32 v3, v42;
	v22 =	vld.idx.msk [tilespmem:v22+s10+$0x0], $0xffff;
	[tilespmem:v60+s12+$0x0] =	vst.idx.msk $0xffff, v61  }
0x72: {  	v15 =	vshrl.u32 v15, $0x3;
	v38 =	vshrl.u32 v21, $0x3;
	v20 =	vld.idx.msk [tilespmem:v20+s10+$0x0], $0xffff;
	[tilespmem:v52+s12+$0x0] =	vst.idx.msk $0xffff, v51  }
0x73: {  	v44 =	vor.u32 s18, v2;
	[tilespmem:v7+s12+$0x0] =	vst.idx.msk $0xffff, v55;
	v7 =	vshrl.u32 v19, $0x3;
	v19 =	vand.u32 $0xFE0, v38;
	v46 =	vld.idx.msk [tilespmem:v62+s9+$0x0], $0xffff  }
0x74: {  	v63 =	vor.u32 s20, v2;
	v6 =	vand.u32 $0xFE0, v15;
	[tilespmem:v50+s12+$0x0] =	vst.idx.msk $0xffff, v39;
	v25 =	vld.idx.msk [tilespmem:v53+s9+$0x0], $0xffff;
	v47 =	vor.u32 v0, v19  }
0x75: {  	v36 =	vand.u32 $0xFE0, v28;
	v37 =	vor.u32 v0, v6;
	v39 =	vor.u32 s29, v2;
	[tilespmem:v58+s12+$0x0] =	vst.idx.msk $0xffff, v57;
	v40 =	vld.idx.msk [tilespmem:v54+s9+$0x0], $0xffff  }
0x76: {  	v42 =	vor.u32 v0, v36;
	v41 =	vor.u32 s21, v2;
	[tilespmem:v13+s12+$0x0] =	vst.idx.msk $0xffff, v22;
	v7 =	vand.u32 $0xFE0, v7;
	v43 =	vld.idx.msk [tilespmem:v56+s9+$0x0], $0xffff  }
0x77: {  	v16 =	vld.idx.msk [tilespmem:v16+s10+$0x0], $0xffff;
	[tilespmem:v12+s12+$0x0] =	vst.idx.msk $0xffff, v20;
	v45 =	vor.u32 v0, v7  }
0x78: {  	v11 =	vld.idx.msk [tilespmem:v11+s10+$0x0], $0xffff;
	[tilespmem:v44+s12+$0x0] =	vst.idx.msk $0xffff, v46  }
0x79: {  	v54 =	vor.u32 s18, v4;
	[tilespmem:v63+s12+$0x0] =	vst.idx.msk $0xffff, v25;
	v55 =	vld.idx.msk [tilespmem:v47+s10+$0x0], $0xffff  }
0x7a: {  	v48 =	vor.u32 s20, v4;
	v56 =	vor.u32 v2, v19;
	[tilespmem:v39+s12+$0x0] =	vst.idx.msk $0xffff, v40;
	v15 =	vld.idx.msk [tilespmem:v37+s10+$0x0], $0xffff  }
0x7b: {  	v49 =	vor.u32 s29, v4;
	v6 =	vor.u32 v2, v6;
	[tilespmem:v41+s12+$0x0] =	vst.idx.msk $0xffff, v43;
	v50 =	vld.idx.msk [tilespmem:v42+s10+$0x0], $0xffff  }
0x7c: {  	[tilespmem:v10+s12+$0x0] =	vst.idx.msk $0xffff, v16;
	v51 =	vor.u32 s21, v4;
	v52 =	vor.u32 v2, v36;
	v53 =	vld.idx.msk [tilespmem:v45+s10+$0x0], $0xffff  }
0x7d: {  	v9 =	vld.idx.msk [tilespmem:v9+s10+$0x0], $0xffff;
	v7 =	vor.u32 v2, v7;
	[tilespmem:v18+s12+$0x0] =	vst.idx.msk $0xffff, v11  }
0x7e: {  	v58 =	vld.idx.msk [tilespmem:v23+s10+$0x0], $0xffff;
	[tilespmem:v54+s12+$0x0] =	vst.idx.msk $0xffff, v55  }
0x7f: {  	v62 =	vor.u32 s18, v5;
	[tilespmem:v48+s12+$0x0] =	vst.idx.msk $0xffff, v15;
	v63 =	vld.idx.msk [tilespmem:v56+s10+$0x0], $0xffff  }
0x80: {  	v57 =	vor.u32 s20, v5;
	[tilespmem:v49+s12+$0x0] =	vst.idx.msk $0xffff, v50;
	v6 =	vld.idx.msk [tilespmem:v6+s10+$0x0], $0xffff  }
0x81: {  	v59 =	vor.u32 s29, v5;
	[tilespmem:v51+s12+$0x0] =	vst.idx.msk $0xffff, v53;
	v60 =	vld.idx.msk [tilespmem:v52+s10+$0x0], $0xffff  }
0x82: {  	s30 =	sshll.u32 s17, $0xD;
	s17 =	sadd.s32 $0x1, s17;
	v61 =	vor.u32 s21, v5;
	[tilespmem:v17+s12+$0x0] =	vst.idx.msk $0xffff, v9;
	v7 =	vld.idx.msk [tilespmem:v7+s10+$0x0], $0xffff  }
0x83: {  	p0 =	sne.s32 s17, $0x8;
	[tilespmem:v14+s12+$0x0] =	vst.idx.msk $0xffff, v58  }
.Ltmp1:
0x84: {  	[tilespmem:v62+s12+$0x0] =	vst.idx.msk $0xffff, v63;
	(pc) =	sbr.rel @p0 .LBB2_2-.Ltmp1, $4  }
0x85: {  	s31 =	sadd.s32 s7, s30;
	[tilespmem:v57+s12+$0x0] =	vst.idx.msk $0xffff, v6  }
0x86: {  	s15 =	sadd.s32 $0x2000, s15;
	s19 =	sshrl.u32 s31, $0x3;
	[tilespmem:v59+s12+$0x0] =	vst.idx.msk $0xffff, v60  }
0x87: {  	s16 =	sadd.s32 $0x80, s16;
	s19 =	sadd.s32 s2, s19;
	s18 =	sadd.s32 $0x3400, s30;
	[tilespmem:v61+s12+$0x0] =	vst.idx.msk $0xffff, v7  }
0x88: {  	[hbm4b:s19+s3] =	stream.linear.scatter [tilespmem:s18], [sflag:$0x2], $0x2000, $0x38;
	[tilespmem:$0x13400] =	vst v63  }
0x89: {  	s14 =	sadd.s32 $0x1, s14  }
0x8a: {  	p0 =	sne.s32 s14, s8  }
.Ltmp2:
0x8b: {  	_ = 	snop;
	(pc) =	sbr.rel @p0 .LBB2_1-.Ltmp2, $4  }
0x8c: {  	_ = 	snop  }
0x8d: {  	_ =	swait.ge [sflag:s13], $0x10000  }
0x8e: {  	[sflag:s13] =	ssyncset.done $0x0  }
0x8f: {  	[sflag:s13] =	ssyncadd.s32 $0xFFFF0000  }
0x90: {  	_ =	sfence.sel $0x180000  }
0x91: {  	[bflag:$0x0] =	sbarrier.arrive $0xFFFF  }
0x92: {  	p0 =	sne.s32 s0, $0x0;
	_ =	strace $0x90000047  }
0x93: {  	s0 =	sadd.s32 @!p0 $0x100000, s1;
	[bflag:$0x2] =	sbarrier.arrive $0xFFFF  }
0x94: {  	[sflag:s0] =	ssyncadd.tile.s32 @!p0 $0x1;
	_ =	shalt  }
.Lfunc_end2:
_tile_overlayer_lowered:
.L_overlay_start_2:
0x95: {  	(tag) =	ssettag $0x2  }
0x96: {  	s0 =	rddreg [dreg:$0x0];
	s2 =	stileid.u32  }
0x97: {  	s1 =	rddreg [dreg:$0x1];
	p0 =	sne.s32 s2, $0x0  }
0x98: {  	s3 =	rddreg [dreg:$0x2];
	[bflag:$0x3] =	sbarrier.arrive $0xFFFF;
	s2 =	simm.s32 @!p0 $0x1C03  }
0x99: {  	[timem:s3], [sflag:s2] =	dma.local @!p0 [hbm:s0], s1  }
0x9a: {  	s0 =	simm.s32 @!p0 $0x3  }
0x9b: {  	_ =	swait.ge @!p0 [sflag:s0], s1  }
0x9c: {  	s1 =	ssub.s32 @!p0 $0x0, s1;
	[sflag:s0] =	ssyncset.done @!p0 $0x0  }
0x9d: {  	[sflag:s0] =	ssyncadd.s32 @!p0 s1  }
0x9e: {  	[bflag:$0x3] =	sbarrier.arrive $0xFFFF  }
0x9f: {  	_ =	shalt  }

</sc_bundles>
